<compile_context>
chip_gen: v7x
topology: tpu7x:2x2x1
jax: 0.10.2.dev20260603
libtpu: 0.0.44.dev20260713+nightly
codegen_flags: <defaults>
</compile_context>

<pallas_src>
import functools
import math
import jax
import jax.numpy as jnp
import numpy as np
from jax import lax
from jax.experimental import pallas as pl
from jax.experimental.pallas import tpu as pltpu
from jax.experimental.pallas import tpu_sc as plsc

DIM = 40
HALF = DIM // 2
BLOCK = 1024

NC, NS = 2, 16
NW = NC * NS


def _sin_turns(u):
    u = u - jnp.floor(u)
    t = 4.0 * u
    q = jnp.floor(t + 0.5)
    theta = (t - q) * (math.pi / 2.0)
    th2 = theta * theta
    s = -1.0 / 5040.0
    s = s * th2 + 1.0 / 120.0
    s = s * th2 - 1.0 / 6.0
    s = s * th2 + 1.0
    s = s * theta
    c = -1.0 / 720.0
    c = c * th2 + 1.0 / 24.0
    c = c * th2 - 1.0 / 2.0
    c = c * th2 + 1.0
    qm = q.astype(jnp.int32) & 3
    mag = jnp.where((qm & 1) == 1, c, s)
    return jnp.where(qm >= 2, -mag, mag)


def _make_sc_gather(n2):
    rows_w = n2 // NW
    mesh = plsc.VectorSubcoreMesh(core_axis_name="c", subcore_axis_name="s",
                                  num_cores=NC, num_subcores=NS)

    @functools.partial(
        pl.kernel, mesh=mesh,
        compiler_params=pltpu.CompilerParams(use_tc_tiling_on_sc=False),
        out_type=jax.ShapeDtypeStruct((n2, DIM), jnp.float32),
        scratch_types=[
            pltpu.VMEM((rows_w,), jnp.int32),
            pltpu.VMEM((rows_w, DIM), jnp.float32),
            pltpu.SemaphoreType.DMA,
        ],
    )
    def sc_gather(cidx_hbm, table_hbm, out_hbm, idx_v, rows_v, sem):
        wid = lax.axis_index("s") * NC + lax.axis_index("c")
        base = wid * rows_w
        pltpu.sync_copy(cidx_hbm.at[pl.ds(base, rows_w)], idx_v)
        pltpu.async_copy(table_hbm.at[idx_v], rows_v, sem).wait()
        pltpu.sync_copy(rows_v, out_hbm.at[pl.ds(base, rows_w), :])

    return sc_gather


def _assemble_block(atoms_ref, nums_ref, xyz_ref, cat_ref,
                    fm_ref, off_ref, out_ref):
    u = jnp.dot(xyz_ref[...], fm_ref[...],
                preferred_element_type=jnp.float32,
                precision=jax.lax.Precision.HIGHEST) + off_ref[...]
    out_ref[:, 0:DIM] = atoms_ref[...]
    out_ref[:, DIM:4 * DIM] = _sin_turns(u)
    out_ref[:, 4 * DIM:5 * DIM] = cat_ref[...]
    out_ref[:, 5 * DIM:6 * DIM] = nums_ref[...]


def _assemble_alias_block(atoms_ref, nums_ref, xyz_ref, cat_ref,
                          fm_ref, off_ref, alias_ref, out_ref):
    _assemble_block(atoms_ref, nums_ref, xyz_ref, cat_ref,
                    fm_ref, off_ref, out_ref)


def kernel(names, x, y, z, categorical, numerical, atom_table, num_table):
    n = names.shape[0]
    h = n // 2
    hb = h // BLOCK
    table = jnp.concatenate([atom_table, num_table], axis=0)
    num_off = numerical + DIM
    cidx1 = jnp.concatenate([names[:h], num_off[:h]])
    cidx2 = jnp.concatenate([names[h:], num_off[h:]])
    sc = _make_sc_gather(n)
    g1 = sc(cidx1, table)
    g2 = sc(cidx2, table)

    inv = (10000.0 ** (-2.0 * np.arange(HALF) / DIM)).astype(np.float32)
    fm = np.zeros((3, 3 * DIM), dtype=np.float32)
    off = np.zeros((1, 3 * DIM), dtype=np.float32)
    for j in range(3):
        fm[j, j * DIM:j * DIM + HALF] = inv
        fm[j, j * DIM + HALF:(j + 1) * DIM] = inv
        off[0, j * DIM + HALF:(j + 1) * DIM] = 0.25
    fm = jnp.asarray(fm)
    off = jnp.asarray(off)
    xyz = jnp.concatenate([x, y, z], axis=1)

    fix_spec = lambda hh, w: pl.BlockSpec((hh, w), lambda i: (0, 0))

    def half_specs(row0):
        return [
            pl.BlockSpec((BLOCK, DIM), lambda i: (i, 0)),
            pl.BlockSpec((BLOCK, DIM), lambda i: (hb + i, 0)),
            pl.BlockSpec((BLOCK, 3), lambda i: (row0 + i, 0)),
            pl.BlockSpec((BLOCK, DIM), lambda i: (row0 + i, 0)),
            fix_spec(3, 3 * DIM),
            fix_spec(1, 3 * DIM),
        ]

    out_sd = jax.ShapeDtypeStruct((n, 6 * DIM), jnp.float32)
    cp = pltpu.CompilerParams(dimension_semantics=("arbitrary",))

    out1 = pl.pallas_call(
        _assemble_block,
        grid=(hb,),
        in_specs=half_specs(0),
        out_specs=pl.BlockSpec((BLOCK, 6 * DIM), lambda i: (i, 0)),
        out_shape=out_sd,
        compiler_params=cp,
    )(g1, g1, xyz, categorical, fm, off)

    return pl.pallas_call(
        _assemble_alias_block,
        grid=(hb,),
        in_specs=half_specs(hb) + [pl.BlockSpec(memory_space=pltpu.MemorySpace.HBM)],
        out_specs=pl.BlockSpec((BLOCK, 6 * DIM), lambda i: (hb + i, 0)),
        out_shape=out_sd,
        input_output_aliases={6: 0},
        compiler_params=cp,
    )(g2, g2, xyz, categorical, fm, off, out1)

# --- scband reference (transcript-rebuilt; emitter-appended) ---
"""Pipeline reference for scband-embedder-30906584662309 (READ-ONLY COPY).

The authoritative reference and input builder live on the scoring server;
editing this copy changes nothing except your own understanding.
"""

import jax, jax.numpy as jnp
import numpy as np
import math

DIM = 40
N = 16384

def sinusoidal_embedding(inputs, dim=DIM):
    # inputs: [N, 1] float; cast kept in float32 (TF code used float64, math identical)
    x = inputs.astype(jnp.float32)
    exponent = 2.0 * jnp.arange(dim // 2, dtype=jnp.float32) / dim  # [dim/2]
    angles = 2.0 * math.pi * x / (10000.0 ** exponent)  # [N, dim/2]
    sin_values = jnp.sin(angles)
    cos_values = jnp.cos(angles)
    return jnp.concatenate([sin_values, cos_values], axis=-1)  # [N, dim]


def setup_inputs(seed: int = 0) -> dict:
    key = jax.random.key(seed)
    k1, k2, k3, k4, k5, k6, k7, k8 = jax.random.split(key, 8)
    names = jax.random.randint(k1, (N,), 0, 40, dtype=jnp.int64 if jax.config.jax_enable_x64 else jnp.int32).astype(jnp.int32)
    x = jax.random.uniform(k2, (N, 1), dtype=jnp.float32)
    y = jax.random.uniform(k3, (N, 1), dtype=jnp.float32)
    z = jax.random.uniform(k4, (N, 1), dtype=jnp.float32)
    categorical = jax.random.normal(k5, (N, 40), dtype=jnp.float32)
    numerical = jax.random.randint(k6, (N,), 0, 40, dtype=jnp.int32)
    # learned parameters: two embedding tables, 40 rows x 40 dims each
    atom_table = jax.random.normal(k7, (40, 40), dtype=jnp.float32) * 0.05
    num_table = jax.random.normal(k8, (40, 40), dtype=jnp.float32) * 0.05
    return {"names": names, "x": x, "y": y, "z": z,
            "categorical": categorical, "numerical": numerical,
            "atom_table": atom_table, "num_table": num_table}


def reference(names, x, y, z, categorical, numerical, atom_table, num_table):
    atoms_embd = jnp.take(atom_table, names, axis=0)        # [N, 40]
    embd_x = sinusoidal_embedding(x)                         # [N, 40]
    embd_y = sinusoidal_embedding(y)                         # [N, 40]
    embd_z = sinusoidal_embedding(z)                         # [N, 40]
    num_embd = jnp.take(num_table, numerical, axis=0)        # [N, 40]
    concatenated = jnp.concatenate(
        [atoms_embd, embd_x, embd_y, embd_z, categorical, num_embd], axis=1)  # [N, 240]
    return concatenated

if __name__ == "__main__":
    import jax
    _d = setup_inputs()
    print(jax.jit(kernel)(*tuple(_d.values())))

</pallas_src>

<mosaic_0001>
#map = affine_map<(d0, d1) -> (0)>
#map1 = affine_map<(d0, d1) -> (0, 0)>
module attributes {stable_mosaic.version = 14 : i64} {
  func.func @sc_gather(%arg0: i32, %arg1: i32, %arg2: memref<16384xi32, #tpu.memory_space<hbm>>, %arg3: memref<80x40xf32, #tpu.memory_space<hbm>>, %arg4: memref<16384x40xf32, #tpu.memory_space<hbm>>, %arg5: memref<512xi32, #tpu.memory_space<vmem>>, %arg6: memref<512x40xf32, #tpu.memory_space<vmem>>, %arg7: memref<!tpu.dma_semaphore, #tpu.memory_space<semaphore_mem>>) attributes {dimension_semantics = [#tpu.dimension_semantics<core_parallel>, #tpu.dimension_semantics<subcore_parallel>], iteration_bounds = array<i64: 2, 16>, scalar_prefetch = 0 : i64, scratch_operands = 3 : i64, tpu.core_type = #tpu.core_type<sc_vector_subcore>, window_params = [{transform_indices = #map}, {transform_indices = #map1}, {transform_indices = #map1}]} {
    %mul3A = arith.constant 2 : i32
    %mul3A_0 = arith.muli %arg1, %mul3A : i32
    %add3A = arith.addi %mul3A_0, %arg0 : i32
    %mul3A_1 = arith.constant 512 : i32
    %mul3A_2 = arith.muli %add3A, %mul3A_1 : i32
    "tpu.region"() ({
      %run_scoped3A = tpu.sem_alloc : memref<!tpu.dma_semaphore, #tpu.memory_space<semaphore_mem>>
      %dma_start3A_7 = tpu.memref_slice %arg2[%mul3A_2] : memref<16384xi32, #tpu.memory_space<hbm>> -> memref<512xi32, #tpu.memory_space<hbm>>
      %dma_start3A_8 = tpu.memref_slice %arg2[%mul3A_2] : memref<16384xi32, #tpu.memory_space<hbm>> -> memref<512xi32, #tpu.memory_space<hbm>>
      tpu.enqueue_dma source(%dma_start3A_8 : memref<512xi32, #tpu.memory_space<hbm>>) target(%arg5 : memref<512xi32, #tpu.memory_space<vmem>>) target_semaphore(%run_scoped3A : memref<!tpu.dma_semaphore, #tpu.memory_space<semaphore_mem>>)
      %dma_wait3A_9 = tpu.memref_slice %arg2[%mul3A_2] : memref<16384xi32, #tpu.memory_space<hbm>> -> memref<512xi32, #tpu.memory_space<hbm>>
      %dma_wait3A_10 = tpu.memref_slice %arg2[%mul3A_2] : memref<16384xi32, #tpu.memory_space<hbm>> -> memref<512xi32, #tpu.memory_space<hbm>>
      tpu.wait_dma2 semaphore(%run_scoped3A : memref<!tpu.dma_semaphore, #tpu.memory_space<semaphore_mem>>) src(%dma_wait3A_10 : memref<512xi32, #tpu.memory_space<hbm>>) dst(%arg5 : memref<512xi32, #tpu.memory_space<vmem>>)
      tpu.yield
    }) : () -> ()
    %dma_start3A = arith.constant 0 : i32
    %dma_start3A_3 = arith.constant 0 : i32
    %dma_start3A_4 = tpu.memref_slice %arg3[%dma_start3A, %dma_start3A_3] : memref<80x40xf32, #tpu.memory_space<hbm>> -> memref<80x40xf32, #tpu.memory_space<hbm>>
    tpu.enqueue_indirect_dma source(%dma_start3A_4 : memref<80x40xf32, #tpu.memory_space<hbm>>) target(%arg6 : memref<512x40xf32, #tpu.memory_space<vmem>>) offsets(%arg5 : memref<512xi32, #tpu.memory_space<vmem>>) semaphore(%arg7 : memref<!tpu.dma_semaphore, #tpu.memory_space<semaphore_mem>>)
    %dma_wait3A = arith.constant 0 : i32
    %dma_wait3A_5 = arith.constant 0 : i32
    %dma_wait3A_6 = tpu.memref_slice %arg3[%dma_wait3A, %dma_wait3A_5] : memref<80x40xf32, #tpu.memory_space<hbm>> -> memref<80x40xf32, #tpu.memory_space<hbm>>
    tpu.wait_indirect_dma semaphore(%arg7 : memref<!tpu.dma_semaphore, #tpu.memory_space<semaphore_mem>>) src(%dma_wait3A_6 : memref<80x40xf32, #tpu.memory_space<hbm>>) dst(%arg6 : memref<512x40xf32, #tpu.memory_space<vmem>>)
    "tpu.region"() ({
      %run_scoped3A = tpu.sem_alloc : memref<!tpu.dma_semaphore, #tpu.memory_space<semaphore_mem>>
      %dma_start3A_7 = arith.constant 0 : i32
      %dma_start3A_8 = tpu.memref_slice %arg4[%mul3A_2, %dma_start3A_7] : memref<16384x40xf32, #tpu.memory_space<hbm>> -> memref<512x40xf32, #tpu.memory_space<hbm>>
      %dma_start3A_9 = arith.constant 0 : i32
      %dma_start3A_10 = tpu.memref_slice %arg4[%mul3A_2, %dma_start3A_9] : memref<16384x40xf32, #tpu.memory_space<hbm>> -> memref<512x40xf32, #tpu.memory_space<hbm>>
      tpu.enqueue_dma source(%arg6 : memref<512x40xf32, #tpu.memory_space<vmem>>) target(%dma_start3A_10 : memref<512x40xf32, #tpu.memory_space<hbm>>) target_semaphore(%run_scoped3A : memref<!tpu.dma_semaphore, #tpu.memory_space<semaphore_mem>>)
      %dma_wait3A_11 = arith.constant 0 : i32
      %dma_wait3A_12 = tpu.memref_slice %arg4[%mul3A_2, %dma_wait3A_11] : memref<16384x40xf32, #tpu.memory_space<hbm>> -> memref<512x40xf32, #tpu.memory_space<hbm>>
      %dma_wait3A_13 = arith.constant 0 : i32
      %dma_wait3A_14 = tpu.memref_slice %arg4[%mul3A_2, %dma_wait3A_13] : memref<16384x40xf32, #tpu.memory_space<hbm>> -> memref<512x40xf32, #tpu.memory_space<hbm>>
      tpu.wait_dma2 semaphore(%run_scoped3A : memref<!tpu.dma_semaphore, #tpu.memory_space<semaphore_mem>>) src(%arg6 : memref<512x40xf32, #tpu.memory_space<vmem>>) dst(%dma_wait3A_14 : memref<512x40xf32, #tpu.memory_space<hbm>>)
      tpu.yield
    }) : () -> ()
    return
  }
}

#map = affine_map<(d0, d1) -> (0)>
#map1 = affine_map<(d0, d1) -> (0, 0)>
module attributes {stable_mosaic.version = 14 : i64} {
  func.func @sc_gather(%arg0: i32, %arg1: i32, %arg2: memref<16384xi32, #tpu.memory_space<hbm>>, %arg3: memref<80x40xf32, #tpu.memory_space<hbm>>, %arg4: memref<16384x40xf32, #tpu.memory_space<hbm>>, %arg5: memref<512xi32, #tpu.memory_space<vmem>>, %arg6: memref<512x40xf32, #tpu.memory_space<vmem>>, %arg7: memref<!tpu.dma_semaphore, #tpu.memory_space<semaphore_mem>>) attributes {dimension_semantics = [#tpu.dimension_semantics<core_parallel>, #tpu.dimension_semantics<subcore_parallel>], iteration_bounds = array<i64: 2, 16>, scalar_prefetch = 0 : i64, scratch_operands = 3 : i64, tpu.core_type = #tpu.core_type<sc_vector_subcore>, window_params = [{transform_indices = #map}, {transform_indices = #map1}, {transform_indices = #map1}]} {
    %mul3A = arith.constant 2 : i32
    %mul3A_0 = arith.muli %arg1, %mul3A : i32
    %add3A = arith.addi %mul3A_0, %arg0 : i32
    %mul3A_1 = arith.constant 512 : i32
    %mul3A_2 = arith.muli %add3A, %mul3A_1 : i32
    "tpu.region"() ({
      %run_scoped3A = tpu.sem_alloc : memref<!tpu.dma_semaphore, #tpu.memory_space<semaphore_mem>>
      %dma_start3A_7 = tpu.memref_slice %arg2[%mul3A_2] : memref<16384xi32, #tpu.memory_space<hbm>> -> memref<512xi32, #tpu.memory_space<hbm>>
      %dma_start3A_8 = tpu.memref_slice %arg2[%mul3A_2] : memref<16384xi32, #tpu.memory_space<hbm>> -> memref<512xi32, #tpu.memory_space<hbm>>
      tpu.enqueue_dma source(%dma_start3A_8 : memref<512xi32, #tpu.memory_space<hbm>>) target(%arg5 : memref<512xi32, #tpu.memory_space<vmem>>) target_semaphore(%run_scoped3A : memref<!tpu.dma_semaphore, #tpu.memory_space<semaphore_mem>>)
      %dma_wait3A_9 = tpu.memref_slice %arg2[%mul3A_2] : memref<16384xi32, #tpu.memory_space<hbm>> -> memref<512xi32, #tpu.memory_space<hbm>>
      %dma_wait3A_10 = tpu.memref_slice %arg2[%mul3A_2] : memref<16384xi32, #tpu.memory_space<hbm>> -> memref<512xi32, #tpu.memory_space<hbm>>
      tpu.wait_dma2 semaphore(%run_scoped3A : memref<!tpu.dma_semaphore, #tpu.memory_space<semaphore_mem>>) src(%dma_wait3A_10 : memref<512xi32, #tpu.memory_space<hbm>>) dst(%arg5 : memref<512xi32, #tpu.memory_space<vmem>>)
      tpu.yield
    }) : () -> ()
    %dma_start3A = arith.constant 0 : i32
    %dma_start3A_3 = arith.constant 0 : i32
    %dma_start3A_4 = tpu.memref_slice %arg3[%dma_start3A, %dma_start3A_3] : memref<80x40xf32, #tpu.memory_space<hbm>> -> memref<80x40xf32, #tpu.memory_space<hbm>>
    tpu.enqueue_indirect_dma source(%dma_start3A_4 : memref<80x40xf32, #tpu.memory_space<hbm>>) target(%arg6 : memref<512x40xf32, #tpu.memory_space<vmem>>) offsets(%arg5 : memref<512xi32, #tpu.memory_space<vmem>>) semaphore(%arg7 : memref<!tpu.dma_semaphore, #tpu.memory_space<semaphore_mem>>)
    %dma_wait3A = arith.constant 0 : i32
    %dma_wait3A_5 = arith.constant 0 : i32
    %dma_wait3A_6 = tpu.memref_slice %arg3[%dma_wait3A, %dma_wait3A_5] : memref<80x40xf32, #tpu.memory_space<hbm>> -> memref<80x40xf32, #tpu.memory_space<hbm>>
    tpu.wait_indirect_dma semaphore(%arg7 : memref<!tpu.dma_semaphore, #tpu.memory_space<semaphore_mem>>) src(%dma_wait3A_6 : memref<80x40xf32, #tpu.memory_space<hbm>>) dst(%arg6 : memref<512x40xf32, #tpu.memory_space<vmem>>)
    "tpu.region"() ({
      %run_scoped3A = tpu.sem_alloc : memref<!tpu.dma_semaphore, #tpu.memory_space<semaphore_mem>>
      %dma_start3A_7 = arith.constant 0 : i32
      %dma_start3A_8 = tpu.memref_slice %arg4[%mul3A_2, %dma_start3A_7] : memref<16384x40xf32, #tpu.memory_space<hbm>> -> memref<512x40xf32, #tpu.memory_space<hbm>>
      %dma_start3A_9 = arith.constant 0 : i32
      %dma_start3A_10 = tpu.memref_slice %arg4[%mul3A_2, %dma_start3A_9] : memref<16384x40xf32, #tpu.memory_space<hbm>> -> memref<512x40xf32, #tpu.memory_space<hbm>>
      tpu.enqueue_dma source(%arg6 : memref<512x40xf32, #tpu.memory_space<vmem>>) target(%dma_start3A_10 : memref<512x40xf32, #tpu.memory_space<hbm>>) target_semaphore(%run_scoped3A : memref<!tpu.dma_semaphore, #tpu.memory_space<semaphore_mem>>)
      %dma_wait3A_11 = arith.constant 0 : i32
      %dma_wait3A_12 = tpu.memref_slice %arg4[%mul3A_2, %dma_wait3A_11] : memref<16384x40xf32, #tpu.memory_space<hbm>> -> memref<512x40xf32, #tpu.memory_space<hbm>>
      %dma_wait3A_13 = arith.constant 0 : i32
      %dma_wait3A_14 = tpu.memref_slice %arg4[%mul3A_2, %dma_wait3A_13] : memref<16384x40xf32, #tpu.memory_space<hbm>> -> memref<512x40xf32, #tpu.memory_space<hbm>>
      tpu.wait_dma2 semaphore(%run_scoped3A : memref<!tpu.dma_semaphore, #tpu.memory_space<semaphore_mem>>) src(%arg6 : memref<512x40xf32, #tpu.memory_space<vmem>>) dst(%dma_wait3A_14 : memref<512x40xf32, #tpu.memory_space<hbm>>)
      tpu.yield
    }) : () -> ()
    return
  }
}

module attributes {stable_mosaic.version = 14 : i64} {
  func.func @_assemble_block(%arg0: i32, %arg1: memref<1024x40xf32, #tpu.memory_space<vmem>>, %arg2: memref<1024x40xf32, #tpu.memory_space<vmem>>, %arg3: memref<1024x3xf32, #tpu.memory_space<vmem>>, %arg4: memref<1024x40xf32, #tpu.memory_space<vmem>>, %arg5: memref<3x120xf32, #tpu.memory_space<vmem>>, %arg6: memref<1x120xf32, #tpu.memory_space<vmem>>, %arg7: memref<1024x240xf32, #tpu.memory_space<vmem>>) attributes {dimension_semantics = [#tpu.dimension_semantics<arbitrary>], iteration_bounds = array<i64: 8>, scalar_prefetch = 0 : i64, scratch_operands = 0 : i64, tpu.core_type = #tpu.core_type<tc>, window_params = [{transform_indices = @transform_0, window_bounds = array<i64: 1024, 40>}, {transform_indices = @transform_1, window_bounds = array<i64: 1024, 40>}, {transform_indices = @transform_2, window_bounds = array<i64: 1024, 3>}, {transform_indices = @transform_3, window_bounds = array<i64: 1024, 40>}, {pipeline_mode = #tpu.pipeline_mode<synchronous>, transform_indices = @transform_4, window_bounds = array<i64: 3, 120>}, {pipeline_mode = #tpu.pipeline_mode<synchronous>, transform_indices = @transform_5, window_bounds = array<i64: 1, 120>}, {transform_indices = @transform_6, window_bounds = array<i64: 1024, 240>}]} {
    %get3A = arith.constant 0 : index
    %get3A_0 = arith.constant 0 : index
    %get3A_1 = vector.load %arg3[%get3A, %get3A_0] : memref<1024x3xf32, #tpu.memory_space<vmem>>, vector<1024x3xf32>
    %get3A_2 = arith.constant 0 : index
    %get3A_3 = arith.constant 0 : index
    %get3A_4 = vector.load %arg5[%get3A_2, %get3A_3] : memref<3x120xf32, #tpu.memory_space<vmem>>, vector<3x120xf32>
    %dot_general3A = arith.constant dense<0.000000e+00> : vector<1024x120xf32>
    %dot_general3A_5 = tpu.matmul %get3A_1, %get3A_4, %dot_general3A {dimension_numbers = #tpu.dot_dimension_numbers<[1], [0], [0], [1], [0, 0, 1, 1], [], []>, precision = #tpu.contract_precision<fp32>, transpose_lhs_hint = false} : vector<1024x3xf32>, vector<3x120xf32>, vector<1024x120xf32> -> vector<1024x120xf32>
    %get3A_6 = arith.constant 0 : index
    %get3A_7 = arith.constant 0 : index
    %get3A_8 = vector.load %arg6[%get3A_6, %get3A_7] : memref<1x120xf32, #tpu.memory_space<vmem>>, vector<1x120xf32>
    %add3A = vector.broadcast %get3A_8 : vector<1x120xf32> to vector<1024x120xf32>
    %add3A_9 = arith.addf %dot_general3A_5, %add3A : vector<1024x120xf32>
    %get3A_10 = arith.constant 0 : index
    %get3A_11 = arith.constant 0 : index
    %get3A_12 = vector.load %arg1[%get3A_10, %get3A_11] : memref<1024x40xf32, #tpu.memory_space<vmem>>, vector<1024x40xf32>
    %swap3A = arith.constant 0 : index
    %swap3A_13 = arith.constant 0 : index
    %swap3A_14 = vector.load %arg7[%swap3A, %swap3A_13] : memref<1024x240xf32, #tpu.memory_space<vmem>>, vector<1024x40xf32>
    tpu.vector_store %arg7[%swap3A, %swap3A_13], %get3A_12 {strides = array<i32>} : memref<1024x240xf32, #tpu.memory_space<vmem>>, vector<1024x40xf32>,
    %floor3A = math.floor %add3A_9 : vector<1024x120xf32>
    %sub3A = arith.subf %add3A_9, %floor3A : vector<1024x120xf32>
    %mul3A = arith.constant 4.000000e+00 : f32
    %mul3A_15 = vector.broadcast %mul3A : f32 to vector<1024x120xf32>
    %mul3A_16 = arith.mulf %mul3A_15, %sub3A : vector<1024x120xf32>
    %add3A_17 = arith.constant 5.000000e-01 : f32
    %add3A_18 = vector.broadcast %add3A_17 : f32 to vector<1024x120xf32>
    %add3A_19 = arith.addf %mul3A_16, %add3A_18 : vector<1024x120xf32>
    %floor3A_20 = math.floor %add3A_19 : vector<1024x120xf32>
    %sub3A_21 = arith.subf %mul3A_16, %floor3A_20 : vector<1024x120xf32>
    %mul3A_22 = arith.constant 1.57079637 : f32
    %mul3A_23 = vector.broadcast %mul3A_22 : f32 to vector<1024x120xf32>
    %mul3A_24 = arith.mulf %sub3A_21, %mul3A_23 : vector<1024x120xf32>
    %mul3A_25 = arith.mulf %mul3A_24, %mul3A_24 : vector<1024x120xf32>
    %mul3A_26 = arith.constant -1.98412701E-4 : f32
    %mul3A_27 = vector.broadcast %mul3A_26 : f32 to vector<1024x120xf32>
    %mul3A_28 = arith.mulf %mul3A_27, %mul3A_25 : vector<1024x120xf32>
    %add3A_29 = arith.constant 0.00833333377 : f32
    %add3A_30 = vector.broadcast %add3A_29 : f32 to vector<1024x120xf32>
    %add3A_31 = arith.addf %mul3A_28, %add3A_30 : vector<1024x120xf32>
    %mul3A_32 = arith.mulf %add3A_31, %mul3A_25 : vector<1024x120xf32>
    %sub3A_33 = arith.constant 0.166666672 : f32
    %sub3A_34 = vector.broadcast %sub3A_33 : f32 to vector<1024x120xf32>
    %sub3A_35 = arith.subf %mul3A_32, %sub3A_34 : vector<1024x120xf32>
    %mul3A_36 = arith.mulf %sub3A_35, %mul3A_25 : vector<1024x120xf32>
    %add3A_37 = arith.constant 1.000000e+00 : f32
    %add3A_38 = vector.broadcast %add3A_37 : f32 to vector<1024x120xf32>
    %add3A_39 = arith.addf %mul3A_36, %add3A_38 : vector<1024x120xf32>
    %mul3A_40 = arith.mulf %add3A_39, %mul3A_24 : vector<1024x120xf32>
    %mul3A_41 = arith.constant -0.00138888892 : f32
    %mul3A_42 = vector.broadcast %mul3A_41 : f32 to vector<1024x120xf32>
    %mul3A_43 = arith.mulf %mul3A_42, %mul3A_25 : vector<1024x120xf32>
    %add3A_44 = arith.constant 0.0416666679 : f32
    %add3A_45 = vector.broadcast %add3A_44 : f32 to vector<1024x120xf32>
    %add3A_46 = arith.addf %mul3A_43, %add3A_45 : vector<1024x120xf32>
    %mul3A_47 = arith.mulf %add3A_46, %mul3A_25 : vector<1024x120xf32>
    %sub3A_48 = arith.constant 5.000000e-01 : f32
    %sub3A_49 = vector.broadcast %sub3A_48 : f32 to vector<1024x120xf32>
    %sub3A_50 = arith.subf %mul3A_47, %sub3A_49 : vector<1024x120xf32>
    %mul3A_51 = arith.mulf %sub3A_50, %mul3A_25 : vector<1024x120xf32>
    %add3A_52 = arith.constant 1.000000e+00 : f32
    %add3A_53 = vector.broadcast %add3A_52 : f32 to vector<1024x120xf32>
    %add3A_54 = arith.addf %mul3A_51, %add3A_53 : vector<1024x120xf32>
    %convert_element_type3A = arith.fptosi %floor3A_20 : vector<1024x120xf32> to vector<1024x120xi32>
    %and3A = arith.constant 3 : i32
    %and3A_55 = vector.broadcast %and3A : i32 to vector<1024x120xi32>
    %and3A_56 = arith.andi %convert_element_type3A, %and3A_55 : vector<1024x120xi32>
    %and3A_57 = arith.constant 1 : i32
    %and3A_58 = vector.broadcast %and3A_57 : i32 to vector<1024x120xi32>
    %and3A_59 = arith.andi %and3A_56, %and3A_58 : vector<1024x120xi32>
    %eq3A = arith.constant 1 : i32
    %eq3A_60 = vector.broadcast %eq3A : i32 to vector<1024x120xi32>
    %eq3A_61 = arith.cmpi eq, %and3A_59, %eq3A_60 : vector<1024x120xi32>
    %select_n3A = arith.select %eq3A_61, %add3A_54, %mul3A_40 : vector<1024x120xi1>, vector<1024x120xf32>
    %ge3A = arith.constant 2 : i32
    %ge3A_62 = vector.broadcast %ge3A : i32 to vector<1024x120xi32>
    %ge3A_63 = arith.cmpi sge, %and3A_56, %ge3A_62 : vector<1024x120xi32>
    %neg3A = arith.constant 0.000000e+00 : f32
    %neg3A_64 = vector.broadcast %neg3A : f32 to vector<1024x120xf32>
    %neg3A_65 = arith.subf %neg3A_64, %select_n3A : vector<1024x120xf32>
    %select_n3A_66 = arith.select %ge3A_63, %neg3A_65, %select_n3A : vector<1024x120xi1>, vector<1024x120xf32>
    %swap3A_67 = arith.constant 0 : index
    %swap3A_68 = arith.constant 40 : index
    %swap3A_69 = vector.load %arg7[%swap3A_67, %swap3A_68] : memref<1024x240xf32, #tpu.memory_space<vmem>>, vector<1024x120xf32>
    tpu.vector_store %arg7[%swap3A_67, %swap3A_68], %select_n3A_66 {strides = array<i32>} : memref<1024x240xf32, #tpu.memory_space<vmem>>, vector<1024x120xf32>,
    %get3A_70 = arith.constant 0 : index
    %get3A_71 = arith.constant 0 : index
    %get3A_72 = vector.load %arg4[%get3A_70, %get3A_71] : memref<1024x40xf32, #tpu.memory_space<vmem>>, vector<1024x40xf32>
    %swap3A_73 = arith.constant 0 : index
    %swap3A_74 = arith.constant 160 : index
    %swap3A_75 = vector.load %arg7[%swap3A_73, %swap3A_74] : memref<1024x240xf32, #tpu.memory_space<vmem>>, vector<1024x40xf32>
    tpu.vector_store %arg7[%swap3A_73, %swap3A_74], %get3A_72 {strides = array<i32>} : memref<1024x240xf32, #tpu.memory_space<vmem>>, vector<1024x40xf32>,
    %get3A_76 = arith.constant 0 : index
    %get3A_77 = arith.constant 0 : index
    %get3A_78 = vector.load %arg2[%get3A_76, %get3A_77] : memref<1024x40xf32, #tpu.memory_space<vmem>>, vector<1024x40xf32>
    %swap3A_79 = arith.constant 0 : index
    %swap3A_80 = arith.constant 200 : index
    %swap3A_81 = vector.load %arg7[%swap3A_79, %swap3A_80] : memref<1024x240xf32, #tpu.memory_space<vmem>>, vector<1024x40xf32>
    tpu.vector_store %arg7[%swap3A_79, %swap3A_80], %get3A_78 {strides = array<i32>} : memref<1024x240xf32, #tpu.memory_space<vmem>>, vector<1024x40xf32>,
    return
  }
  func.func @transform_0(%arg0: i32) -> (i32, i32) {
    %c0_i32 = arith.constant 0 : i32
    %c0_i32_0 = arith.constant 0 : i32
    return %arg0, %c0_i32 : i32, i32
  }
  func.func @transform_1(%arg0: i32) -> (i32, i32) {
    %add3A = arith.constant 8 : i32
    %add3A_0 = arith.addi %add3A, %arg0 : i32
    %c0_i32 = arith.constant 0 : i32
    %c0_i32_1 = arith.constant 0 : i32
    return %add3A_0, %c0_i32 : i32, i32
  }
  func.func @transform_2(%arg0: i32) -> (i32, i32) {
    %add3A = arith.constant 0 : i32
    %add3A_0 = arith.addi %add3A, %arg0 : i32
    %c0_i32 = arith.constant 0 : i32
    %c0_i32_1 = arith.constant 0 : i32
    return %add3A_0, %c0_i32 : i32, i32
  }
  func.func @transform_3(%arg0: i32) -> (i32, i32) {
    %add3A = arith.constant 0 : i32
    %add3A_0 = arith.addi %add3A, %arg0 : i32
    %c0_i32 = arith.constant 0 : i32
    %c0_i32_1 = arith.constant 0 : i32
    return %add3A_0, %c0_i32 : i32, i32
  }
  func.func @transform_4(%arg0: i32) -> (i32, i32) {
    %c0_i32 = arith.constant 0 : i32
    %c0_i32_0 = arith.constant 0 : i32
    %c0_i32_1 = arith.constant 0 : i32
    return %c0_i32, %c0_i32_0 : i32, i32
  }
  func.func @transform_5(%arg0: i32) -> (i32, i32) {
    %c0_i32 = arith.constant 0 : i32
    %c0_i32_0 = arith.constant 0 : i32
    %c0_i32_1 = arith.constant 0 : i32
    return %c0_i32, %c0_i32_0 : i32, i32
  }
  func.func @transform_6(%arg0: i32) -> (i32, i32) {
    %c0_i32 = arith.constant 0 : i32
    %c0_i32_0 = arith.constant 0 : i32
    return %arg0, %c0_i32 : i32, i32
  }
}

module attributes {stable_mosaic.version = 14 : i64} {
  func.func @_assemble_alias_block(%arg0: i32, %arg1: memref<1024x40xf32, #tpu.memory_space<vmem>>, %arg2: memref<1024x40xf32, #tpu.memory_space<vmem>>, %arg3: memref<1024x3xf32, #tpu.memory_space<vmem>>, %arg4: memref<1024x40xf32, #tpu.memory_space<vmem>>, %arg5: memref<3x120xf32, #tpu.memory_space<vmem>>, %arg6: memref<1x120xf32, #tpu.memory_space<vmem>>, %arg7: memref<16384x240xf32, #tpu.memory_space<hbm>>, %arg8: memref<1024x240xf32, #tpu.memory_space<vmem>>) attributes {dimension_semantics = [#tpu.dimension_semantics<arbitrary>], iteration_bounds = array<i64: 8>, scalar_prefetch = 0 : i64, scratch_operands = 0 : i64, tpu.core_type = #tpu.core_type<tc>, window_params = [{transform_indices = @transform_0, window_bounds = array<i64: 1024, 40>}, {transform_indices = @transform_1, window_bounds = array<i64: 1024, 40>}, {transform_indices = @transform_2, window_bounds = array<i64: 1024, 3>}, {transform_indices = @transform_3, window_bounds = array<i64: 1024, 40>}, {pipeline_mode = #tpu.pipeline_mode<synchronous>, transform_indices = @transform_4, window_bounds = array<i64: 3, 120>}, {pipeline_mode = #tpu.pipeline_mode<synchronous>, transform_indices = @transform_5, window_bounds = array<i64: 1, 120>}, {}, {transform_indices = @transform_7, window_bounds = array<i64: 1024, 240>}]} {
    %get3A = arith.constant 0 : index
    %get3A_0 = arith.constant 0 : index
    %get3A_1 = vector.load %arg3[%get3A, %get3A_0] : memref<1024x3xf32, #tpu.memory_space<vmem>>, vector<1024x3xf32>
    %get3A_2 = arith.constant 0 : index
    %get3A_3 = arith.constant 0 : index
    %get3A_4 = vector.load %arg5[%get3A_2, %get3A_3] : memref<3x120xf32, #tpu.memory_space<vmem>>, vector<3x120xf32>
    %dot_general3A = arith.constant dense<0.000000e+00> : vector<1024x120xf32>
    %dot_general3A_5 = tpu.matmul %get3A_1, %get3A_4, %dot_general3A {dimension_numbers = #tpu.dot_dimension_numbers<[1], [0], [0], [1], [0, 0, 1, 1], [], []>, precision = #tpu.contract_precision<fp32>, transpose_lhs_hint = false} : vector<1024x3xf32>, vector<3x120xf32>, vector<1024x120xf32> -> vector<1024x120xf32>
    %get3A_6 = arith.constant 0 : index
    %get3A_7 = arith.constant 0 : index
    %get3A_8 = vector.load %arg6[%get3A_6, %get3A_7] : memref<1x120xf32, #tpu.memory_space<vmem>>, vector<1x120xf32>
    %add3A = vector.broadcast %get3A_8 : vector<1x120xf32> to vector<1024x120xf32>
    %add3A_9 = arith.addf %dot_general3A_5, %add3A : vector<1024x120xf32>
    %get3A_10 = arith.constant 0 : index
    %get3A_11 = arith.constant 0 : index
    %get3A_12 = vector.load %arg1[%get3A_10, %get3A_11] : memref<1024x40xf32, #tpu.memory_space<vmem>>, vector<1024x40xf32>
    %swap3A = arith.constant 0 : index
    %swap3A_13 = arith.constant 0 : index
    %swap3A_14 = vector.load %arg8[%swap3A, %swap3A_13] : memref<1024x240xf32, #tpu.memory_space<vmem>>, vector<1024x40xf32>
    tpu.vector_store %arg8[%swap3A, %swap3A_13], %get3A_12 {strides = array<i32>} : memref<1024x240xf32, #tpu.memory_space<vmem>>, vector<1024x40xf32>,
    %floor3A = math.floor %add3A_9 : vector<1024x120xf32>
    %sub3A = arith.subf %add3A_9, %floor3A : vector<1024x120xf32>
    %mul3A = arith.constant 4.000000e+00 : f32
    %mul3A_15 = vector.broadcast %mul3A : f32 to vector<1024x120xf32>
    %mul3A_16 = arith.mulf %mul3A_15, %sub3A : vector<1024x120xf32>
    %add3A_17 = arith.constant 5.000000e-01 : f32
    %add3A_18 = vector.broadcast %add3A_17 : f32 to vector<1024x120xf32>
    %add3A_19 = arith.addf %mul3A_16, %add3A_18 : vector<1024x120xf32>
    %floor3A_20 = math.floor %add3A_19 : vector<1024x120xf32>
    %sub3A_21 = arith.subf %mul3A_16, %floor3A_20 : vector<1024x120xf32>
    %mul3A_22 = arith.constant 1.57079637 : f32
    %mul3A_23 = vector.broadcast %mul3A_22 : f32 to vector<1024x120xf32>
    %mul3A_24 = arith.mulf %sub3A_21, %mul3A_23 : vector<1024x120xf32>
    %mul3A_25 = arith.mulf %mul3A_24, %mul3A_24 : vector<1024x120xf32>
    %mul3A_26 = arith.constant -1.98412701E-4 : f32
    %mul3A_27 = vector.broadcast %mul3A_26 : f32 to vector<1024x120xf32>
    %mul3A_28 = arith.mulf %mul3A_27, %mul3A_25 : vector<1024x120xf32>
    %add3A_29 = arith.constant 0.00833333377 : f32
    %add3A_30 = vector.broadcast %add3A_29 : f32 to vector<1024x120xf32>
    %add3A_31 = arith.addf %mul3A_28, %add3A_30 : vector<1024x120xf32>
    %mul3A_32 = arith.mulf %add3A_31, %mul3A_25 : vector<1024x120xf32>
    %sub3A_33 = arith.constant 0.166666672 : f32
    %sub3A_34 = vector.broadcast %sub3A_33 : f32 to vector<1024x120xf32>
    %sub3A_35 = arith.subf %mul3A_32, %sub3A_34 : vector<1024x120xf32>
    %mul3A_36 = arith.mulf %sub3A_35, %mul3A_25 : vector<1024x120xf32>
    %add3A_37 = arith.constant 1.000000e+00 : f32
    %add3A_38 = vector.broadcast %add3A_37 : f32 to vector<1024x120xf32>
    %add3A_39 = arith.addf %mul3A_36, %add3A_38 : vector<1024x120xf32>
    %mul3A_40 = arith.mulf %add3A_39, %mul3A_24 : vector<1024x120xf32>
    %mul3A_41 = arith.constant -0.00138888892 : f32
    %mul3A_42 = vector.broadcast %mul3A_41 : f32 to vector<1024x120xf32>
    %mul3A_43 = arith.mulf %mul3A_42, %mul3A_25 : vector<1024x120xf32>
    %add3A_44 = arith.constant 0.0416666679 : f32
    %add3A_45 = vector.broadcast %add3A_44 : f32 to vector<1024x120xf32>
    %add3A_46 = arith.addf %mul3A_43, %add3A_45 : vector<1024x120xf32>
    %mul3A_47 = arith.mulf %add3A_46, %mul3A_25 : vector<1024x120xf32>
    %sub3A_48 = arith.constant 5.000000e-01 : f32
    %sub3A_49 = vector.broadcast %sub3A_48 : f32 to vector<1024x120xf32>
    %sub3A_50 = arith.subf %mul3A_47, %sub3A_49 : vector<1024x120xf32>
    %mul3A_51 = arith.mulf %sub3A_50, %mul3A_25 : vector<1024x120xf32>
    %add3A_52 = arith.constant 1.000000e+00 : f32
    %add3A_53 = vector.broadcast %add3A_52 : f32 to vector<1024x120xf32>
    %add3A_54 = arith.addf %mul3A_51, %add3A_53 : vector<1024x120xf32>
    %convert_element_type3A = arith.fptosi %floor3A_20 : vector<1024x120xf32> to vector<1024x120xi32>
    %and3A = arith.constant 3 : i32
    %and3A_55 = vector.broadcast %and3A : i32 to vector<1024x120xi32>
    %and3A_56 = arith.andi %convert_element_type3A, %and3A_55 : vector<1024x120xi32>
    %and3A_57 = arith.constant 1 : i32
    %and3A_58 = vector.broadcast %and3A_57 : i32 to vector<1024x120xi32>
    %and3A_59 = arith.andi %and3A_56, %and3A_58 : vector<1024x120xi32>
    %eq3A = arith.constant 1 : i32
    %eq3A_60 = vector.broadcast %eq3A : i32 to vector<1024x120xi32>
    %eq3A_61 = arith.cmpi eq, %and3A_59, %eq3A_60 : vector<1024x120xi32>
    %select_n3A = arith.select %eq3A_61, %add3A_54, %mul3A_40 : vector<1024x120xi1>, vector<1024x120xf32>
    %ge3A = arith.constant 2 : i32
    %ge3A_62 = vector.broadcast %ge3A : i32 to vector<1024x120xi32>
    %ge3A_63 = arith.cmpi sge, %and3A_56, %ge3A_62 : vector<1024x120xi32>
    %neg3A = arith.constant 0.000000e+00 : f32
    %neg3A_64 = vector.broadcast %neg3A : f32 to vector<1024x120xf32>
    %neg3A_65 = arith.subf %neg3A_64, %select_n3A : vector<1024x120xf32>
    %select_n3A_66 = arith.select %ge3A_63, %neg3A_65, %select_n3A : vector<1024x120xi1>, vector<1024x120xf32>
    %swap3A_67 = arith.constant 0 : index
    %swap3A_68 = arith.constant 40 : index
    %swap3A_69 = vector.load %arg8[%swap3A_67, %swap3A_68] : memref<1024x240xf32, #tpu.memory_space<vmem>>, vector<1024x120xf32>
    tpu.vector_store %arg8[%swap3A_67, %swap3A_68], %select_n3A_66 {strides = array<i32>} : memref<1024x240xf32, #tpu.memory_space<vmem>>, vector<1024x120xf32>,
    %get3A_70 = arith.constant 0 : index
    %get3A_71 = arith.constant 0 : index
    %get3A_72 = vector.load %arg4[%get3A_70, %get3A_71] : memref<1024x40xf32, #tpu.memory_space<vmem>>, vector<1024x40xf32>
    %swap3A_73 = arith.constant 0 : index
    %swap3A_74 = arith.constant 160 : index
    %swap3A_75 = vector.load %arg8[%swap3A_73, %swap3A_74] : memref<1024x240xf32, #tpu.memory_space<vmem>>, vector<1024x40xf32>
    tpu.vector_store %arg8[%swap3A_73, %swap3A_74], %get3A_72 {strides = array<i32>} : memref<1024x240xf32, #tpu.memory_space<vmem>>, vector<1024x40xf32>,
    %get3A_76 = arith.constant 0 : index
    %get3A_77 = arith.constant 0 : index
    %get3A_78 = vector.load %arg2[%get3A_76, %get3A_77] : memref<1024x40xf32, #tpu.memory_space<vmem>>, vector<1024x40xf32>
    %swap3A_79 = arith.constant 0 : index
    %swap3A_80 = arith.constant 200 : index
    %swap3A_81 = vector.load %arg8[%swap3A_79, %swap3A_80] : memref<1024x240xf32, #tpu.memory_space<vmem>>, vector<1024x40xf32>
    tpu.vector_store %arg8[%swap3A_79, %swap3A_80], %get3A_78 {strides = array<i32>} : memref<1024x240xf32, #tpu.memory_space<vmem>>, vector<1024x40xf32>,
    return
  }
  func.func @transform_0(%arg0: i32) -> (i32, i32) {
    %c0_i32 = arith.constant 0 : i32
    %c0_i32_0 = arith.constant 0 : i32
    return %arg0, %c0_i32 : i32, i32
  }
  func.func @transform_1(%arg0: i32) -> (i32, i32) {
    %add3A = arith.constant 8 : i32
    %add3A_0 = arith.addi %add3A, %arg0 : i32
    %c0_i32 = arith.constant 0 : i32
    %c0_i32_1 = arith.constant 0 : i32
    return %add3A_0, %c0_i32 : i32, i32
  }
  func.func @transform_2(%arg0: i32) -> (i32, i32) {
    %add3A = arith.constant 8 : i32
    %add3A_0 = arith.addi %add3A, %arg0 : i32
    %c0_i32 = arith.constant 0 : i32
    %c0_i32_1 = arith.constant 0 : i32
    return %add3A_0, %c0_i32 : i32, i32
  }
  func.func @transform_3(%arg0: i32) -> (i32, i32) {
    %add3A = arith.constant 8 : i32
    %add3A_0 = arith.addi %add3A, %arg0 : i32
    %c0_i32 = arith.constant 0 : i32
    %c0_i32_1 = arith.constant 0 : i32
    return %add3A_0, %c0_i32 : i32, i32
  }
  func.func @transform_4(%arg0: i32) -> (i32, i32) {
    %c0_i32 = arith.constant 0 : i32
    %c0_i32_0 = arith.constant 0 : i32
    %c0_i32_1 = arith.constant 0 : i32
    return %c0_i32, %c0_i32_0 : i32, i32
  }
  func.func @transform_5(%arg0: i32) -> (i32, i32) {
    %c0_i32 = arith.constant 0 : i32
    %c0_i32_0 = arith.constant 0 : i32
    %c0_i32_1 = arith.constant 0 : i32
    return %c0_i32, %c0_i32_0 : i32, i32
  }
  func.func @transform_7(%arg0: i32) -> (i32, i32) {
    %add3A = arith.constant 8 : i32
    %add3A_0 = arith.addi %add3A, %arg0 : i32
    %c0_i32 = arith.constant 0 : i32
    %c0_i32_1 = arith.constant 0 : i32
    return %add3A_0, %c0_i32 : i32, i32
  }
}

</mosaic_0001>

<sc_bundles>
// kernel: kernel.6.cloned.1.call-start
scs
__scs_entry_jumppad:
0x0: {  	(pc) =	sbr.rel $0x88, $3  }
0x1: {  	(tag) =	ssettag $0x0;
	lr =	simm.s32 $0x1  }
0x2: {  	[smem:$0x3F99] =	sst lr;
	_ =	strace $0xD0000000  }
0x3: {  	_ = 	snop  }
0x4: {  	_ = 	snop  }
0x5: {  	_ = 	snop  }
0x6: {  	_ = 	snop  }
0x7: {  	_ = 	snop  }
__scs_overlays_trampoline_lowered:
0x8: {  	[smem:$0x3FA8] =	sst s0  }
0x9: {  	[smem:$0x3FA9] =	sst s1  }
0xa: {  	[smem:$0x3FAA] =	sst s2  }
0xb: {  	[smem:$0x3FAB] =	sst s3  }
0xc: {  	[smem:$0x3FAC] =	sst s4  }
0xd: {  	[smem:$0x3FAD] =	sst s5  }
0xe: {  	[smem:$0x3FAE] =	sst s6  }
0xf: {  	[smem:$0x3FAF] =	sst s7  }
0x10: {  	[smem:$0x3FB0] =	sst s8  }
0x11: {  	[smem:$0x3FB1] =	sst s9;
	s0 =	simm.s32 @!p0 $0x0  }
0x12: {  	s1 =	sld [smem:$0x3F97];
	s0 =	simm.s32 @p0 $0x1  }
0x13: {  	[smem:$0x3FB2] =	sst s0;
	s0 =	simm.s32 @!p1 $0x0  }
0x14: {  	s2 =	sld [smem:$0x3F96];
	s0 =	simm.s32 @p1 $0x1  }
0x15: {  	[smem:$0x3FB3] =	sst s0;
	s0 =	simm.s32 @!p2 $0x0  }
0x16: {  	s3 =	sld [smem:$0x3FDB];
	s0 =	simm.s32 @p2 $0x1  }
0x17: {  	s4 =	simm.s32 $0x1BF5;
	[smem:$0x3FB5] =	sst s0  }
0x18: {  	s0 =	sld [smem:$0x3F98];
	_ =	swait.ge [sflag:s4], $0x0  }
0x19: {  	s7 =	sld [smem:$0x3F99]  }
0x1a: {  	s8 =	sadd.s32 $0xFFFFE003, lr  }
0x1b: {  	s9 =	sadd.s32 $0xFFFFFEF7, lr;
	s5 =	simm.s32 $0xFFFFFFFF;
	p2 =	slt.u32 s8, $0xFFFFF086  }
0x1c: {  	p1 =	slt.u32 s9, $0xF7A;
	s5 =	simm.s32 @!p2 $0x0  }
0x1d: {  	s5 =	simm.s32 @p1 $0x1;
	p0 =	seq.s32 s7, s2  }
0x1e: {  	s7 =	smul.u32 @!p0 $0xF7A, s2;
	p2 =	seq.s32 @!p0 s5, $0x0  }
0x1f: {  	s9 =	smul.u32 $0xF7A, s1;
	s8 =	simm.s32 @!p0 $0x1BF5;
	p2 =	por !p2, p0  }
0x20: {  	[sflag:s8] =	ssyncset.s32 @!p0 $0xFFFFF086;
	s6 =	sadd.s32 @!p0 s3, s7;
	s7 =	simm.s32 @!p0 $0x108  }
0x21: {  	s3 =	sadd.s32 s3, s9;
	s6 =	sadd.s32 @!p0 $0x88, s6;
	s7 =	simm.s32 @p2 $0x1082  }
0x22: {  	[simem:s7], [sflag:s8] =	dma.local @!p0 [hbm:s6], $0xF7A  }
0x23: {  	s9 =	sor.u32 $0xD0000000, s2;
	s6 =	simm.s32 $0x108;
	_ =	swait.ge @!p0 [sflag:s8], $0x0  }
0x24: {  	s3 =	sadd.s32 $0x88, s3;
	s6 =	simm.s32 @!p1 $0x1082;
	[sflag:s4] =	ssyncset.s32 $0xFFFFF086  }
0x25: {  	[simem:s6], [sflag:s4] =	dma.local [hbm:s3], $0xF7A  }
0x26: {  	[smem:$0x3F99] =	sst s1;
	(tag) =	ssettag s2;
	_ =	strace s9  }
0x27: {  	s1 =	sld [smem:$0x3FA9]  }
0x28: {  	s2 =	sld [smem:$0x3FAA]  }
0x29: {  	s4 =	sld [smem:$0x3FAC]  }
0x2a: {  	p0 =	seq.s32 s5, $0x0;
	s5 =	sld [smem:$0x3FAD]  }
0x2b: {  	s6 =	sld [smem:$0x3FAE]  }
0x2c: {  	s7 =	sld [smem:$0x3FAF]  }
0x2d: {  	s3 =	simm.s32 $0x108;
	s8 =	sld [smem:$0x3FB0]  }
0x2e: {  	s3 =	simm.s32 @!p0 $0x1082;
	s9 =	sld [smem:$0x3FB1]  }
0x2f: {  	lr =	sadd.s32 s0, s3;
	s0 =	sld [smem:$0x3FA8]  }
0x30: {  	s3 =	sld [smem:$0x3FAB]  }
0x31: {  	[smem:$0x3FB4] =	sst s10  }
0x32: {  	s10 =	sld [smem:$0x3FB2];
	_ =	sdelay $0x3  }
0x33: {  	p0 =	seq.s32 s10, $0x1;
	s10 =	sld [smem:$0x3FB4];
	_ =	sdelay $0x3  }
0x34: {  	[smem:$0x3FB4] =	sst s10  }
0x35: {  	s10 =	sld [smem:$0x3FB3];
	_ =	sdelay $0x3  }
0x36: {  	p1 =	seq.s32 s10, $0x1;
	s10 =	sld [smem:$0x3FB4];
	_ =	sdelay $0x3  }
0x37: {  	[smem:$0x3FB4] =	sst s10  }
0x38: {  	s10 =	sld [smem:$0x3FB5]  }
0x39: {  	_ = 	snop;
	(pc) =	sbr.ind lr, $3  }
0x3a: {  	_ = 	snop  }
0x3b: {  	_ = 	snop  }
0x3c: {  	p2 =	seq.s32 s10, $0x1;
	s10 =	sld [smem:$0x3FB4]  }
0x3d: {  	_ =	shalt  }
0x3e: {  	_ =	shalt  }
0x3f: {  	_ =	shalt  }
0x40: {  	_ =	shalt  }
0x41: {  	_ =	shalt  }
0x42: {  	_ =	shalt  }
0x43: {  	_ =	shalt  }
0x44: {  	_ =	shalt  }
0x45: {  	_ =	shalt  }
0x46: {  	_ =	shalt  }
0x47: {  	_ =	shalt  }
0x48: {  	_ =	shalt  }
0x49: {  	_ =	shalt  }
0x4a: {  	_ =	shalt  }
0x4b: {  	_ =	shalt  }
0x4c: {  	_ =	shalt  }
0x4d: {  	_ =	shalt  }
0x4e: {  	_ =	shalt  }
0x4f: {  	_ =	shalt  }
0x50: {  	_ =	shalt  }
0x51: {  	_ =	shalt  }
0x52: {  	_ =	shalt  }
0x53: {  	_ =	shalt  }
0x54: {  	_ =	shalt  }
0x55: {  	_ =	shalt  }
0x56: {  	_ =	shalt  }
0x57: {  	_ =	shalt  }
0x58: {  	_ =	shalt  }
0x59: {  	_ =	shalt  }
0x5a: {  	_ =	shalt  }
0x5b: {  	_ =	shalt  }
0x5c: {  	_ =	shalt  }
0x5d: {  	_ =	shalt  }
0x5e: {  	_ =	shalt  }
0x5f: {  	_ =	shalt  }
0x60: {  	_ =	shalt  }
0x61: {  	_ =	shalt  }
0x62: {  	_ =	shalt  }
0x63: {  	_ =	shalt  }
0x64: {  	_ =	shalt  }
0x65: {  	_ =	shalt  }
0x66: {  	_ =	shalt  }
0x67: {  	_ =	shalt  }
0x68: {  	_ =	shalt  }
0x69: {  	_ =	shalt  }
0x6a: {  	_ =	shalt  }
0x6b: {  	_ =	shalt  }
0x6c: {  	_ =	shalt  }
0x6d: {  	_ =	shalt  }
0x6e: {  	_ =	shalt  }
0x6f: {  	_ =	shalt  }
0x70: {  	_ =	shalt  }
0x71: {  	_ =	shalt  }
0x72: {  	_ =	shalt  }
0x73: {  	_ =	shalt  }
0x74: {  	_ =	shalt  }
0x75: {  	_ =	shalt  }
0x76: {  	_ =	shalt  }
0x77: {  	_ =	shalt  }
0x78: {  	_ =	shalt  }
0x79: {  	_ =	shalt  }
0x7a: {  	_ =	shalt  }
0x7b: {  	_ =	shalt  }
0x7c: {  	_ =	shalt  }
0x7d: {  	_ =	shalt  }
0x7e: {  	_ =	shalt  }
0x7f: {  	_ =	shalt  }
0x80: {  	_ =	shalt  }
0x81: {  	_ =	shalt  }
0x82: {  	_ =	shalt  }
0x83: {  	_ =	shalt  }
0x84: {  	_ =	shalt  }
0x85: {  	_ =	shalt  }
0x86: {  	_ =	shalt  }
0x87: {  	_ =	shalt  }
.Lfunc_end0:
.L_simem_size_0:
called_computation_lowered:
.L_overlay_start_0:
0x88: {  	s2 =	sld [smem:$0x3FD9]  }
0x89: {  	s3 =	sld [smem:$0x3FFE];
	_ =	sdelay $0x1  }
0x8a: {  	s1 =	srdreg.scid  }
0x8b: {  	s0 =	sand.u32 $0x1, s1  }
0x8c: {  	s17 =	sshll.u32 s0, $0xA;
	s2 =	sadd.s32 s3, s2  }
0x8d: {  	s2 =	sadd.s32 s2, s17  }
0x8e: {  	[smem:$0x3FC0] =	sst s2  }
0x8f: {  	_ = 	snop  }
0x90: {  	(tm) =	ssettm $0x1  }
0x91: {  	s18 =	sld [smem:$0x3FFB];
	_ =	sdelay $0x3  }
0x92: {  	_ =	strace s18  }
0x93: {  	s2 =	sld [smem:$0x3FFC];
	_ =	sdelay $0x3  }
0x94: {  	_ =	strace s2  }
0x95: {  	s2 =	sld [smem:$0x3FFD];
	_ =	sdelay $0x3  }
0x96: {  	_ =	strace s2  }
0x97: {  	_ =	strace $0x8FFFFFFF  }
0x98: {  	s19 =	sld [smem:$0x3FDB];
	_ =	sdelay $0x1  }
0x99: {  	s20 =	simm.s32 $_scs_section_size  }
0x9a: {  	s4 =	simm.s32 $_size__tile_overlayer_lowered;
	s5 =	simm.s32 $_tile_overlayer_lowered  }
0x9b: {  	s6 =	simm.s32 $0x1BFF;
	s21 =	sshll.u32 s5, $0x1;
	s3 =	sadd.s32 s20, s19  }
0x9c: {  	s22 =	simm.s32 $0x0;
	s4 =	sshll.u32 s4, $0x1;
	s5 =	sadd.s32 s21, s3  }
0x9d: {  	[timem:s22], [sflag:s6] =	dma.local [hbm:s5], s4  }
0x9e: {  	_ =	swait.ge [sflag:s6], s4  }
0x9f: {  	s4 =	ssub.s32 $0x0, s4;
	[sflag:s6] =	ssyncset.done $0x0  }
0xa0: {  	[sflag:s6] =	ssyncadd.s32 s4;
	_ =	sdelay $0x1  }
0xa1: {  	s23 =	simm.s32 $0x1B8B  }
0xa2: {  	_ =	swait.ge [sflag:s23], $0x1  }
0xa3: {  	[sflag:s23] =	ssyncset.done $0x0  }
0xa4: {  	[sflag:s23] =	ssyncadd.s32 $0xFFFFFFFF  }
0xa5: {  	s4 =	sld [smem:$0x0]  }
0xa6: {  	s5 =	sand.u32 $0xFFFFFFFE, s1  }
0xa7: {  	p0 =	sne.s32 s1, s5  }
0xa8: {  	s5 =	sshll.u32 @p0 s5, $0xE  }
0xa9: {  	s5 =	sadd.s32 @p0 $0x11B8D, s5;
	s6 =	sshll.u32 @p0 s4, $0x11  }
0xaa: {  	s5 =	sor.u32 @p0 s6, s5  }
0xab: {  	[sflag:s5] =	ssyncadd.remote.s32 @p0 $0x1;
	_ =	sdelay $0x1  }
0xac: {  	s5 =	simm.s32 @p0 $0x1B8D  }
0xad: {  	_ =	swait.eq @p0 [sflag:s5], $0x1  }
0xae: {  	[sflag:s5] =	ssyncadd.s32 @p0 $0xFFFFFFFF  }
0xaf: {  	s6 =	sshll.u32 @!p0 s1, $0xE  }
0xb0: {  	s6 =	sor.u32 @!p0 $0x4000, s6;
	s5 =	simm.s32 @!p0 $0x1B8D  }
0xb1: {  	s4 =	sshll.u32 @!p0 s4, $0x11;
	s6 =	sadd.s32 @!p0 $0x11B8D, s6;
	_ =	swait.eq @!p0 [sflag:s5], $0x1  }
0xb2: {  	s4 =	sor.u32 @!p0 s4, s6;
	[sflag:s5] =	ssyncadd.s32 @!p0 $0xFFFFFFFF  }
0xb3: {  	s25 =	simm.s32 $0x1B8E;
	s24 =	sld [smem:$0x3FFE];
	[sflag:s4] =	ssyncadd.remote.s32 @!p0 $0x1  }
0xb4: {  	s26 =	simm.s32 $execute0_lowered;
	[smem:$0x3FD2] =	sst s25  }
0xb5: {  	s5 =	sshll.u32 s26, $0x1;
	_ =	strace $0x80000049;
	[dreg:$0x1] =	wrdreg $0xFFFFFFFF  }
0xb6: {  	s28 =	simm.s32 $_size_execute0_lowered;
	s3 =	sadd.s32 s3, s5;
	[dreg:$0x0] =	wrdreg $0x0  }
0xb7: {  	s5 =	sshll.u32 s28, $0x1;
	[dreg:$0x2] =	wrdreg s3  }
0xb8: {  	[dreg:$0x3] =	wrdreg s5  }
0xb9: {  	[dreg:$0x4] =	wrdreg $0xC0  }
0xba: {  	_ =	task [dreg:s22], $0x5FFFF  }
0xbb: {  	[dreg:$0x1] =	wrdreg $0xFFFFFFFF  }
0xbc: {  	[dreg:$0x0] =	wrdreg $0x60  }
0xbd: {  	[dreg:$0x2] =	wrdreg s24  }
0xbe: {  	[dreg:$0x3] =	wrdreg $0x9  }
0xbf: {  	_ =	task.clear_ibuf [dreg:s22], $0x4FFFF;
	_ =	strace $0x90000049  }
0xc0: {  	s29 =	simm.s32 $0x9;
	_ =	strace $0x8000004B  }
0xc1: {  	_ =	swait.ge [sflag:s29], $0x1  }
0xc2: {  	[sflag:s29] =	ssyncadd.s32 $0xFFFFFFFF  }
0xc3: {  	_ =	strace $0x9000004B  }
0xc4: {  	_ =	sfence  }
0xc5: {  	s30 =	sld [smem:$0x0];
	_ =	sdelay $0x2  }
0xc6: {  	s31 =	sshll.u32 s1, $0xD;
	s1 =	sshrl.u32 s1, $0x2  }
0xc7: {  	s4 =	sand.u32 $0x4000, s31;
	s1 =	sadd.s32 s1, s30  }
0xc8: {  	s0 =	sor.u32 s4, s0;
	s1 =	sshll.u32 s1, $0x11  }
0xc9: {  	s0 =	sor.u32 s1, s0  }
0xca: {  	s0 =	sadd.s32 $0x8F2B, s0  }
0xcb: {  	[sflag:s0] =	ssyncadd.remote.s32 $0x1  }
0xcc: {  	_ =	sfence.sel $0xFFFF  }
0xcd: {  	[dreg:$0x0] =	wrdreg $0xFFFFFFFF;
	(pc) =	sbr.abs _section_cstart, $3  }
0xce: {  	[dreg:$0x1] =	wrdreg $0xFFFFFFFF  }
0xcf: {  	_ =	task.clear_ibuf [dreg:s22], $0x2FFFF;
	_ =	strace $0x9FFFFFFF  }
0xd0: {  	(tm) =	ssettm $0x7FFFFFFF  }
0xd1: {  	_ =	shalt  }
tec
execute0_lowered:
.L_overlay_start_1:
0x0: {  	(tag) =	ssettag $0x1  }
0x1: {  	s1 =	srdreg.scid  }
0x2: {  	s0 =	stileid.u32;
	s6 =	sand.u32 $0x1, s1  }
0x3: {  	s8 =	rddreg [dreg:$0x0];
	s30 =	sshll.u32 s0, $0xA;
	s2 =	sshll.u32 s6, $0x9  }
0x4: {  	s1 =	rddreg [dreg:$0x1];
	s5 =	sadd.s32 $0x1E00, s8;
	s7 =	sor.u32 s2, s30  }
0x5: {  	s10 =	ssub.s32 $0x2, s6;
	s2 =	simm.s32 $0x0;
	s3 =	sshrl.u32 s7, $0x3  }
0x6: {  	s6 =	simm.s32 $0x200;
	[smem:$0x7FF] =	sst s2;
	s3 =	sadd.s32 s3, s8  }
0x7: {  	_ =	strace $0x8000004A;
	s4 =	sadd.s32 $0x2800, s3;
	s3 =	simm.s32 $0x2  }
0x8: {  	[tilespmem:s2], [sflag:$0x2] =	stream.linear.gather [hbm4b:s4+s2], $0x200, $0x38;
	[tilespmem:$0x5200] =	vst v63  }
0x9: {  	s11 =	sshrl.u32 s10, $0x1;
	s9 =	smul.u32 $0x5, s7;
	_ =	swait.ge [sflag:s3], $0x200  }
0xa: {  	s7 =	simm.s32 $0x1;
	s31 =	ssub.s32 s10, s11;
	[sflag:s3] =	ssyncset.done $0x0  }
0xb: {  	s8 =	sadd.s32 s9, s8;
	s9 =	smax.u32 s31, $0x1;
	[sflag:s3] =	ssyncadd.s32 $0xFFFFFE00  }
0xc: {  	[tilespmem:s6], [sflag:$0x1] =	stream.indirect.gather [hbm4b:s5+s6], $0x28, s2, s6, $0xb8;
	[tilespmem:$0x5200] =	vst v63  }
0xd: {  	p0 =	sne.s32 s9, $0x1;
	_ =	swait.ge [sflag:s7], $0x5000  }
.Ltmp0:
0xe: {  	[sflag:s7] =	ssyncset.done $0x0;
	(pc) =	sbr.rel @!p0 .LBB2_2-.Ltmp0, $4  }
0xf: {  	s8 =	sadd.s32 $0x17000, s8;
	[sflag:s7] =	ssyncadd.s32 $0xFFFFB000  }
0x10: {  	[hbm4b:s8+s2] =	stream.linear.scatter [tilespmem:s6], [sflag:$0x2], $0x5000, $0x38;
	[tilespmem:$0x5200] =	vst v63  }
0x11: {  	_ =	swait.ge [sflag:s3], $0x5000  }
0x12: {  	s9 =	sadd.s32 $0xFFFFFFFF, s9;
	[sflag:s3] =	ssyncset.done $0x0  }
.LBB2_1:
0x13: {  	p0 =	sne.s32 s9, $0x1;
	s9 =	sadd.s32 $0xFFFFFFFF, s9;
	[sflag:s3] =	ssyncadd.s32 $0xFFFFB000  }
0x14: {  	[tilespmem:s2], [sflag:$0x2] =	stream.linear.gather [hbm4b:s4+s2], $0x200, $0x38;
	[tilespmem:$0x5200] =	vst v63  }
0x15: {  	_ =	swait.ge [sflag:s3], $0x200  }
0x16: {  	[sflag:s3] =	ssyncset.done $0x0  }
0x17: {  	[sflag:s3] =	ssyncadd.s32 $0xFFFFFE00  }
0x18: {  	[tilespmem:s6], [sflag:$0x1] =	stream.indirect.gather [hbm4b:s5+s6], $0x28, s2, s6, $0xb8;
	[tilespmem:$0x5200] =	vst v63  }
0x19: {  	_ =	swait.ge [sflag:s7], $0x5000  }
.Ltmp1:
0x1a: {  	[sflag:s7] =	ssyncset.done $0x0;
	(pc) =	sbr.rel @p0 .LBB2_1-.Ltmp1, $4  }
0x1b: {  	[sflag:s7] =	ssyncadd.s32 $0xFFFFB000  }
0x1c: {  	[hbm4b:s8+s2] =	stream.linear.scatter [tilespmem:s6], [sflag:$0x2], $0x5000, $0x38;
	[tilespmem:$0x5200] =	vst v63  }
0x1d: {  	_ =	swait.ge [sflag:s3], $0x5000  }
0x1e: {  	[sflag:s3] =	ssyncset.done $0x0  }
.LBB2_2:
0x1f: {  	[sflag:s3] =	ssyncadd.s32 $0xFFFFB000  }
0x20: {  	_ =	sfence.sel $0x180000  }
0x21: {  	[bflag:$0x0] =	sbarrier.arrive $0xFFFF  }
0x22: {  	p0 =	sne.s32 s0, $0x0;
	_ =	strace $0x9000004A  }
0x23: {  	s0 =	sadd.s32 @!p0 $0x100000, s1;
	[bflag:$0x2] =	sbarrier.arrive $0xFFFF  }
0x24: {  	[sflag:s0] =	ssyncadd.tile.s32 @!p0 $0x1;
	_ =	shalt  }
.Lfunc_end2:
_tile_overlayer_lowered:
.L_overlay_start_2:
0x25: {  	(tag) =	ssettag $0x2  }
0x26: {  	s0 =	rddreg [dreg:$0x0];
	s2 =	stileid.u32  }
0x27: {  	s1 =	rddreg [dreg:$0x1];
	p0 =	sne.s32 s2, $0x0  }
0x28: {  	s3 =	rddreg [dreg:$0x2];
	[bflag:$0x3] =	sbarrier.arrive $0xFFFF;
	s2 =	simm.s32 @!p0 $0x1C02  }
0x29: {  	[timem:s3], [sflag:s2] =	dma.local @!p0 [hbm:s0], s1  }
0x2a: {  	s0 =	simm.s32 @!p0 $0x2  }
0x2b: {  	_ =	swait.ge @!p0 [sflag:s0], s1  }
0x2c: {  	s1 =	ssub.s32 @!p0 $0x0, s1;
	[sflag:s0] =	ssyncset.done @!p0 $0x0  }
0x2d: {  	[sflag:s0] =	ssyncadd.s32 @!p0 s1  }
0x2e: {  	[bflag:$0x3] =	sbarrier.arrive $0xFFFF  }
0x2f: {  	_ =	shalt  }

// kernel: kernel.9.cloned.1.call-start
scs
__scs_entry_jumppad:
0x0: {  	(pc) =	sbr.rel $0x88, $3  }
0x1: {  	(tag) =	ssettag $0x0;
	lr =	simm.s32 $0x1  }
0x2: {  	[smem:$0x3F99] =	sst lr;
	_ =	strace $0xD0000000  }
0x3: {  	_ = 	snop  }
0x4: {  	_ = 	snop  }
0x5: {  	_ = 	snop  }
0x6: {  	_ = 	snop  }
0x7: {  	_ = 	snop  }
__scs_overlays_trampoline_lowered:
0x8: {  	[smem:$0x3FA8] =	sst s0  }
0x9: {  	[smem:$0x3FA9] =	sst s1  }
0xa: {  	[smem:$0x3FAA] =	sst s2  }
0xb: {  	[smem:$0x3FAB] =	sst s3  }
0xc: {  	[smem:$0x3FAC] =	sst s4  }
0xd: {  	[smem:$0x3FAD] =	sst s5  }
0xe: {  	[smem:$0x3FAE] =	sst s6  }
0xf: {  	[smem:$0x3FAF] =	sst s7  }
0x10: {  	[smem:$0x3FB0] =	sst s8  }
0x11: {  	[smem:$0x3FB1] =	sst s9;
	s0 =	simm.s32 @!p0 $0x0  }
0x12: {  	s1 =	sld [smem:$0x3F97];
	s0 =	simm.s32 @p0 $0x1  }
0x13: {  	[smem:$0x3FB2] =	sst s0;
	s0 =	simm.s32 @!p1 $0x0  }
0x14: {  	s2 =	sld [smem:$0x3F96];
	s0 =	simm.s32 @p1 $0x1  }
0x15: {  	[smem:$0x3FB3] =	sst s0;
	s0 =	simm.s32 @!p2 $0x0  }
0x16: {  	s3 =	sld [smem:$0x3FDB];
	s0 =	simm.s32 @p2 $0x1  }
0x17: {  	s4 =	simm.s32 $0x1BF5;
	[smem:$0x3FB5] =	sst s0  }
0x18: {  	s0 =	sld [smem:$0x3F98];
	_ =	swait.ge [sflag:s4], $0x0  }
0x19: {  	s7 =	sld [smem:$0x3F99]  }
0x1a: {  	s8 =	sadd.s32 $0xFFFFE003, lr  }
0x1b: {  	s9 =	sadd.s32 $0xFFFFFEF7, lr;
	s5 =	simm.s32 $0xFFFFFFFF;
	p2 =	slt.u32 s8, $0xFFFFF086  }
0x1c: {  	p1 =	slt.u32 s9, $0xF7A;
	s5 =	simm.s32 @!p2 $0x0  }
0x1d: {  	s5 =	simm.s32 @p1 $0x1;
	p0 =	seq.s32 s7, s2  }
0x1e: {  	s7 =	smul.u32 @!p0 $0xF7A, s2;
	p2 =	seq.s32 @!p0 s5, $0x0  }
0x1f: {  	s9 =	smul.u32 $0xF7A, s1;
	s8 =	simm.s32 @!p0 $0x1BF5;
	p2 =	por !p2, p0  }
0x20: {  	[sflag:s8] =	ssyncset.s32 @!p0 $0xFFFFF086;
	s6 =	sadd.s32 @!p0 s3, s7;
	s7 =	simm.s32 @!p0 $0x108  }
0x21: {  	s3 =	sadd.s32 s3, s9;
	s6 =	sadd.s32 @!p0 $0x88, s6;
	s7 =	simm.s32 @p2 $0x1082  }
0x22: {  	[simem:s7], [sflag:s8] =	dma.local @!p0 [hbm:s6], $0xF7A  }
0x23: {  	s9 =	sor.u32 $0xD0000000, s2;
	s6 =	simm.s32 $0x108;
	_ =	swait.ge @!p0 [sflag:s8], $0x0  }
0x24: {  	s3 =	sadd.s32 $0x88, s3;
	s6 =	simm.s32 @!p1 $0x1082;
	[sflag:s4] =	ssyncset.s32 $0xFFFFF086  }
0x25: {  	[simem:s6], [sflag:s4] =	dma.local [hbm:s3], $0xF7A  }
0x26: {  	[smem:$0x3F99] =	sst s1;
	(tag) =	ssettag s2;
	_ =	strace s9  }
0x27: {  	s1 =	sld [smem:$0x3FA9]  }
0x28: {  	s2 =	sld [smem:$0x3FAA]  }
0x29: {  	s4 =	sld [smem:$0x3FAC]  }
0x2a: {  	p0 =	seq.s32 s5, $0x0;
	s5 =	sld [smem:$0x3FAD]  }
0x2b: {  	s6 =	sld [smem:$0x3FAE]  }
0x2c: {  	s7 =	sld [smem:$0x3FAF]  }
0x2d: {  	s3 =	simm.s32 $0x108;
	s8 =	sld [smem:$0x3FB0]  }
0x2e: {  	s3 =	simm.s32 @!p0 $0x1082;
	s9 =	sld [smem:$0x3FB1]  }
0x2f: {  	lr =	sadd.s32 s0, s3;
	s0 =	sld [smem:$0x3FA8]  }
0x30: {  	s3 =	sld [smem:$0x3FAB]  }
0x31: {  	[smem:$0x3FB4] =	sst s10  }
0x32: {  	s10 =	sld [smem:$0x3FB2];
	_ =	sdelay $0x3  }
0x33: {  	p0 =	seq.s32 s10, $0x1;
	s10 =	sld [smem:$0x3FB4];
	_ =	sdelay $0x3  }
0x34: {  	[smem:$0x3FB4] =	sst s10  }
0x35: {  	s10 =	sld [smem:$0x3FB3];
	_ =	sdelay $0x3  }
0x36: {  	p1 =	seq.s32 s10, $0x1;
	s10 =	sld [smem:$0x3FB4];
	_ =	sdelay $0x3  }
0x37: {  	[smem:$0x3FB4] =	sst s10  }
0x38: {  	s10 =	sld [smem:$0x3FB5]  }
0x39: {  	_ = 	snop;
	(pc) =	sbr.ind lr, $3  }
0x3a: {  	_ = 	snop  }
0x3b: {  	_ = 	snop  }
0x3c: {  	p2 =	seq.s32 s10, $0x1;
	s10 =	sld [smem:$0x3FB4]  }
0x3d: {  	_ =	shalt  }
0x3e: {  	_ =	shalt  }
0x3f: {  	_ =	shalt  }
0x40: {  	_ =	shalt  }
0x41: {  	_ =	shalt  }
0x42: {  	_ =	shalt  }
0x43: {  	_ =	shalt  }
0x44: {  	_ =	shalt  }
0x45: {  	_ =	shalt  }
0x46: {  	_ =	shalt  }
0x47: {  	_ =	shalt  }
0x48: {  	_ =	shalt  }
0x49: {  	_ =	shalt  }
0x4a: {  	_ =	shalt  }
0x4b: {  	_ =	shalt  }
0x4c: {  	_ =	shalt  }
0x4d: {  	_ =	shalt  }
0x4e: {  	_ =	shalt  }
0x4f: {  	_ =	shalt  }
0x50: {  	_ =	shalt  }
0x51: {  	_ =	shalt  }
0x52: {  	_ =	shalt  }
0x53: {  	_ =	shalt  }
0x54: {  	_ =	shalt  }
0x55: {  	_ =	shalt  }
0x56: {  	_ =	shalt  }
0x57: {  	_ =	shalt  }
0x58: {  	_ =	shalt  }
0x59: {  	_ =	shalt  }
0x5a: {  	_ =	shalt  }
0x5b: {  	_ =	shalt  }
0x5c: {  	_ =	shalt  }
0x5d: {  	_ =	shalt  }
0x5e: {  	_ =	shalt  }
0x5f: {  	_ =	shalt  }
0x60: {  	_ =	shalt  }
0x61: {  	_ =	shalt  }
0x62: {  	_ =	shalt  }
0x63: {  	_ =	shalt  }
0x64: {  	_ =	shalt  }
0x65: {  	_ =	shalt  }
0x66: {  	_ =	shalt  }
0x67: {  	_ =	shalt  }
0x68: {  	_ =	shalt  }
0x69: {  	_ =	shalt  }
0x6a: {  	_ =	shalt  }
0x6b: {  	_ =	shalt  }
0x6c: {  	_ =	shalt  }
0x6d: {  	_ =	shalt  }
0x6e: {  	_ =	shalt  }
0x6f: {  	_ =	shalt  }
0x70: {  	_ =	shalt  }
0x71: {  	_ =	shalt  }
0x72: {  	_ =	shalt  }
0x73: {  	_ =	shalt  }
0x74: {  	_ =	shalt  }
0x75: {  	_ =	shalt  }
0x76: {  	_ =	shalt  }
0x77: {  	_ =	shalt  }
0x78: {  	_ =	shalt  }
0x79: {  	_ =	shalt  }
0x7a: {  	_ =	shalt  }
0x7b: {  	_ =	shalt  }
0x7c: {  	_ =	shalt  }
0x7d: {  	_ =	shalt  }
0x7e: {  	_ =	shalt  }
0x7f: {  	_ =	shalt  }
0x80: {  	_ =	shalt  }
0x81: {  	_ =	shalt  }
0x82: {  	_ =	shalt  }
0x83: {  	_ =	shalt  }
0x84: {  	_ =	shalt  }
0x85: {  	_ =	shalt  }
0x86: {  	_ =	shalt  }
0x87: {  	_ =	shalt  }
.Lfunc_end0:
.L_simem_size_0:
called_computation.1_lowered:
.L_overlay_start_0:
0x88: {  	s2 =	sld [smem:$0x3FD9]  }
0x89: {  	s3 =	sld [smem:$0x3FFE];
	_ =	sdelay $0x1  }
0x8a: {  	s1 =	srdreg.scid  }
0x8b: {  	s0 =	sand.u32 $0x1, s1  }
0x8c: {  	s16 =	sshll.u32 s0, $0xA;
	s2 =	sadd.s32 s3, s2  }
0x8d: {  	s2 =	sadd.s32 s2, s16  }
0x8e: {  	[smem:$0x3FC0] =	sst s2  }
0x8f: {  	_ = 	snop  }
0x90: {  	(tm) =	ssettm $0x1  }
0x91: {  	s17 =	sld [smem:$0x3FFB];
	_ =	sdelay $0x3  }
0x92: {  	_ =	strace s17  }
0x93: {  	s2 =	sld [smem:$0x3FFC];
	_ =	sdelay $0x3  }
0x94: {  	_ =	strace s2  }
0x95: {  	s2 =	sld [smem:$0x3FFD];
	_ =	sdelay $0x3  }
0x96: {  	_ =	strace s2  }
0x97: {  	_ =	strace $0x8FFFFFFF  }
0x98: {  	s18 =	sld [smem:$0x3FDB];
	_ =	sdelay $0x1  }
0x99: {  	s19 =	simm.s32 $_scs_section_size  }
0x9a: {  	s4 =	simm.s32 $_size__tile_overlayer_lowered;
	s5 =	simm.s32 $_tile_overlayer_lowered  }
0x9b: {  	s22 =	simm.s32 $0x1BFF;
	s21 =	sshll.u32 s5, $0x1;
	s2 =	sadd.s32 s19, s18  }
0x9c: {  	s6 =	simm.s32 $0x0;
	s20 =	sshll.u32 s4, $0x1;
	s4 =	sadd.s32 s21, s2  }
0x9d: {  	[timem:s6], [sflag:s22] =	dma.local [hbm:s4], s20  }
0x9e: {  	_ =	swait.ge [sflag:s22], s20  }
0x9f: {  	s3 =	ssub.s32 $0x0, s20;
	[sflag:s22] =	ssyncset.done $0x0  }
0xa0: {  	[sflag:s22] =	ssyncadd.s32 s3;
	_ =	sdelay $0x1  }
0xa1: {  	s23 =	simm.s32 $0x1B8B  }
0xa2: {  	_ =	swait.ge [sflag:s23], $0x1  }
0xa3: {  	[sflag:s23] =	ssyncset.done $0x0  }
0xa4: {  	s25 =	simm.s32 $0x1B8E;
	s24 =	sld [smem:$0x3FFE];
	[sflag:s23] =	ssyncadd.s32 $0xFFFFFFFF  }
0xa5: {  	s26 =	simm.s32 $execute0_lowered;
	[smem:$0x3FD2] =	sst s25  }
0xa6: {  	s4 =	sshll.u32 s26, $0x1;
	_ =	strace $0x80000046;
	[dreg:$0x1] =	wrdreg $0xFFFFFFFF  }
0xa7: {  	s28 =	simm.s32 $_size_execute0_lowered;
	s2 =	sadd.s32 s2, s4;
	[dreg:$0x0] =	wrdreg $0x0  }
0xa8: {  	s4 =	sshll.u32 s28, $0x1;
	[dreg:$0x2] =	wrdreg s2  }
0xa9: {  	[dreg:$0x3] =	wrdreg s4  }
0xaa: {  	[dreg:$0x4] =	wrdreg $0xC0  }
0xab: {  	_ =	task [dreg:s6], $0x5FFFF  }
0xac: {  	[dreg:$0x1] =	wrdreg $0xFFFFFFFF  }
0xad: {  	[dreg:$0x0] =	wrdreg $0x60  }
0xae: {  	[dreg:$0x2] =	wrdreg s24  }
0xaf: {  	[dreg:$0x3] =	wrdreg $0xA  }
0xb0: {  	_ =	task.clear_ibuf [dreg:s6], $0x4FFFF;
	_ =	strace $0x90000046  }
0xb1: {  	s29 =	simm.s32 $0xA;
	_ =	strace $0x80000048  }
0xb2: {  	_ =	swait.ge [sflag:s29], $0x1  }
0xb3: {  	[sflag:s29] =	ssyncadd.s32 $0xFFFFFFFF  }
0xb4: {  	_ =	strace $0x90000048  }
0xb5: {  	_ =	sfence  }
0xb6: {  	s30 =	sld [smem:$0x0];
	_ =	sdelay $0x2  }
0xb7: {  	s31 =	sshll.u32 s1, $0xD;
	s1 =	sshrl.u32 s1, $0x2  }
0xb8: {  	s3 =	sand.u32 $0x4000, s31;
	s1 =	sadd.s32 s1, s30  }
0xb9: {  	s0 =	sor.u32 s3, s0;
	s1 =	sshll.u32 s1, $0x11  }
0xba: {  	s0 =	sor.u32 s1, s0  }
0xbb: {  	s0 =	sadd.s32 $0x8F2B, s0  }
0xbc: {  	[sflag:s0] =	ssyncadd.remote.s32 $0x1  }
0xbd: {  	_ =	sfence.sel $0xFFFF  }
0xbe: {  	[dreg:$0x0] =	wrdreg $0xFFFFFFFF;
	(pc) =	sbr.abs _section_cstart, $3  }
0xbf: {  	[dreg:$0x1] =	wrdreg $0xFFFFFFFF  }
0xc0: {  	_ =	task.clear_ibuf [dreg:s6], $0x2FFFF;
	_ =	strace $0x9FFFFFFF  }
0xc1: {  	(tm) =	ssettm $0x7FFFFFFF  }
tec
execute0_lowered:
.L_overlay_start_1:
0x0: {  	(tag) =	ssettag $0x1  }
0x1: {  	s1 =	srdreg.scid  }
0x2: {  	s0 =	stileid.u32;
	s6 =	sand.u32 $0x1, s1  }
0x3: {  	s8 =	rddreg [dreg:$0x0];
	s30 =	sshll.u32 s0, $0xA;
	s2 =	sshll.u32 s6, $0x9  }
0x4: {  	s1 =	rddreg [dreg:$0x1];
	s5 =	sadd.s32 $0x1E00, s8;
	s7 =	sor.u32 s2, s30  }
0x5: {  	s10 =	ssub.s32 $0x2, s6;
	s2 =	simm.s32 $0x0;
	s3 =	sshrl.u32 s7, $0x3  }
0x6: {  	s6 =	simm.s32 $0x200;
	[smem:$0x7FF] =	sst s2;
	s3 =	sadd.s32 s3, s8  }
0x7: {  	_ =	strace $0x80000047;
	s4 =	sadd.s32 $0x2000, s3;
	s3 =	simm.s32 $0x2  }
0x8: {  	[tilespmem:s2], [sflag:$0x2] =	stream.linear.gather [hbm4b:s4+s2], $0x200, $0x38;
	[tilespmem:$0x5200] =	vst v63  }
0x9: {  	s11 =	sshrl.u32 s10, $0x1;
	s9 =	smul.u32 $0x5, s7;
	_ =	swait.ge [sflag:s3], $0x200  }
0xa: {  	s7 =	simm.s32 $0x1;
	s31 =	ssub.s32 s10, s11;
	[sflag:s3] =	ssyncset.done $0x0  }
0xb: {  	s8 =	sadd.s32 s9, s8;
	s9 =	smax.u32 s31, $0x1;
	[sflag:s3] =	ssyncadd.s32 $0xFFFFFE00  }
0xc: {  	[tilespmem:s6], [sflag:$0x1] =	stream.indirect.gather [hbm4b:s5+s6], $0x28, s2, s6, $0xb8;
	[tilespmem:$0x5200] =	vst v63  }
0xd: {  	p0 =	sne.s32 s9, $0x1;
	_ =	swait.ge [sflag:s7], $0x5000  }
.Ltmp0:
0xe: {  	[sflag:s7] =	ssyncset.done $0x0;
	(pc) =	sbr.rel @!p0 .LBB2_2-.Ltmp0, $4  }
0xf: {  	s8 =	sadd.s32 $0x3000, s8;
	[sflag:s7] =	ssyncadd.s32 $0xFFFFB000  }
0x10: {  	[hbm4b:s8+s2] =	stream.linear.scatter [tilespmem:s6], [sflag:$0x2], $0x5000, $0x38;
	[tilespmem:$0x5200] =	vst v63  }
0x11: {  	_ =	swait.ge [sflag:s3], $0x5000  }
0x12: {  	s9 =	sadd.s32 $0xFFFFFFFF, s9;
	[sflag:s3] =	ssyncset.done $0x0  }
.LBB2_1:
0x13: {  	p0 =	sne.s32 s9, $0x1;
	s9 =	sadd.s32 $0xFFFFFFFF, s9;
	[sflag:s3] =	ssyncadd.s32 $0xFFFFB000  }
0x14: {  	[tilespmem:s2], [sflag:$0x2] =	stream.linear.gather [hbm4b:s4+s2], $0x200, $0x38;
	[tilespmem:$0x5200] =	vst v63  }
0x15: {  	_ =	swait.ge [sflag:s3], $0x200  }
0x16: {  	[sflag:s3] =	ssyncset.done $0x0  }
0x17: {  	[sflag:s3] =	ssyncadd.s32 $0xFFFFFE00  }
0x18: {  	[tilespmem:s6], [sflag:$0x1] =	stream.indirect.gather [hbm4b:s5+s6], $0x28, s2, s6, $0xb8;
	[tilespmem:$0x5200] =	vst v63  }
0x19: {  	_ =	swait.ge [sflag:s7], $0x5000  }
.Ltmp1:
0x1a: {  	[sflag:s7] =	ssyncset.done $0x0;
	(pc) =	sbr.rel @p0 .LBB2_1-.Ltmp1, $4  }
0x1b: {  	[sflag:s7] =	ssyncadd.s32 $0xFFFFB000  }
0x1c: {  	[hbm4b:s8+s2] =	stream.linear.scatter [tilespmem:s6], [sflag:$0x2], $0x5000, $0x38;
	[tilespmem:$0x5200] =	vst v63  }
0x1d: {  	_ =	swait.ge [sflag:s3], $0x5000  }
0x1e: {  	[sflag:s3] =	ssyncset.done $0x0  }
.LBB2_2:
0x1f: {  	[sflag:s3] =	ssyncadd.s32 $0xFFFFB000  }
0x20: {  	_ =	sfence.sel $0x180000  }
0x21: {  	[bflag:$0x0] =	sbarrier.arrive $0xFFFF  }
0x22: {  	p0 =	sne.s32 s0, $0x0;
	_ =	strace $0x90000047  }
0x23: {  	s0 =	sadd.s32 @!p0 $0x100000, s1;
	[bflag:$0x2] =	sbarrier.arrive $0xFFFF  }
0x24: {  	[sflag:s0] =	ssyncadd.tile.s32 @!p0 $0x1;
	_ =	shalt  }
.Lfunc_end2:
_tile_overlayer_lowered:
.L_overlay_start_2:
0x25: {  	(tag) =	ssettag $0x2  }
0x26: {  	s0 =	rddreg [dreg:$0x0];
	s2 =	stileid.u32  }
0x27: {  	s1 =	rddreg [dreg:$0x1];
	p0 =	sne.s32 s2, $0x0  }
0x28: {  	s3 =	rddreg [dreg:$0x2];
	[bflag:$0x3] =	sbarrier.arrive $0xFFFF;
	s2 =	simm.s32 @!p0 $0x1C02  }
0x29: {  	[timem:s3], [sflag:s2] =	dma.local @!p0 [hbm:s0], s1  }
0x2a: {  	s0 =	simm.s32 @!p0 $0x2  }
0x2b: {  	_ =	swait.ge @!p0 [sflag:s0], s1  }
0x2c: {  	s1 =	ssub.s32 @!p0 $0x0, s1;
	[sflag:s0] =	ssyncset.done @!p0 $0x0  }
0x2d: {  	[sflag:s0] =	ssyncadd.s32 @!p0 s1  }
0x2e: {  	[bflag:$0x3] =	sbarrier.arrive $0xFFFF  }
0x2f: {  	_ =	shalt  }

</sc_bundles>
